<compile_context>
chip_gen: v7x
topology: tpu7x:2x2x1
jax: 0.10.2.dev20260603
libtpu: 0.0.44.dev20260713+nightly
codegen_flags: <defaults>
</compile_context>

<pallas_src>
import functools
import jax
import jax.numpy as jnp
from jax import lax
from jax.experimental import pallas as pl
from jax.experimental.pallas import tpu as pltpu
from jax.experimental.pallas import tpu_sc as plsc

NUM_ROWS = 1000
D = 128
NSEQ = 4096
SEQ_LEN = 50
NC, NS = 2, 16
NW = NC * NS
S_PER_W = NSEQ // NW


def _make_kernel():
  mesh = plsc.VectorSubcoreMesh(core_axis_name="c", subcore_axis_name="s")

  @functools.partial(
      pl.kernel,
      out_type=jax.ShapeDtypeStruct((SEQ_LEN, NSEQ, D), jnp.float32),
      mesh=mesh,
      scratch_types=[
          pltpu.VMEM((SEQ_LEN, S_PER_W), jnp.int32),
          pltpu.VMEM((3, S_PER_W, D), jnp.float32),
          pltpu.VMEM_SHARED((NUM_ROWS, D), jnp.float32),
          pltpu.SemaphoreType.DMA,
          pltpu.SemaphoreType.DMA,
      ],
  )
  def gather_kernel(idx_hbm, table_hbm, out_hbm, idx_v, rows_v, table_sh,
                    sem_g, sem_s):
    sid = lax.axis_index("s")
    wid = sid * NC + lax.axis_index("c")
    base = wid * S_PER_W
    pltpu.sync_copy(idx_hbm.at[:, pl.ds(base, S_PER_W)], idx_v)

    @pl.when(sid == 0)
    def _stage_table():
      pltpu.sync_copy(table_hbm, table_sh)

    plsc.subcore_barrier()

    pltpu.async_copy(table_sh.at[idx_v.at[0]], rows_v.at[0], sem_g)

    def _drain_one_scatter():
      pltpu.make_async_copy(
          rows_v.at[0], out_hbm.at[0, pl.ds(base, S_PER_W)], sem_s).wait()

    def body(j, carry):
      b = lax.rem(j, 3)
      nb = lax.rem(j + 1, 3)

      @pl.when(j >= 2)
      def _wait_scatter_jm2():
        _drain_one_scatter()

      @pl.when(j + 1 < SEQ_LEN)
      def _fire_next_gather():
        pltpu.async_copy(table_sh.at[idx_v.at[j + 1]], rows_v.at[nb], sem_g)

      pltpu.make_async_copy(
          table_sh.at[idx_v.at[j]], rows_v.at[b], sem_g).wait()
      pltpu.async_copy(
          rows_v.at[b], out_hbm.at[j, pl.ds(base, S_PER_W)], sem_s)
      return carry

    lax.fori_loop(0, SEQ_LEN, body, 0)
    _drain_one_scatter()
    _drain_one_scatter()

  return gather_kernel


_gather = _make_kernel()


@jax.jit
def kernel(env_ids, table):
  out_t = _gather(env_ids.T.astype(jnp.int32), table)
  return jnp.transpose(out_t, (1, 0, 2))

# --- scband reference (transcript-rebuilt; emitter-appended) ---
"""Pipeline reference for scband-env-embedding-49125835931942 (READ-ONLY COPY).

The authoritative reference and input builder live on the scoring server;
editing this copy changes nothing except your own understanding.
"""

import jax, jax.numpy as jnp
import numpy as np

NUM_ENVS = 1000
EMB_SIZE = 128

def setup_inputs(seed: int = 0) -> dict:
    key = jax.random.key(seed)
    k1, k2 = jax.random.split(key)
    env_ids = jax.random.randint(k1, (4096, 50), 0, NUM_ENVS, dtype=jnp.int64 if jax.config.jax_enable_x64 else jnp.int32)
    table = jax.random.normal(k2, (NUM_ENVS, EMB_SIZE), dtype=jnp.float32)
    return {"env_ids": env_ids, "table": table}

def reference(env_ids, table):
    # Faithful translation of nn.Embedding lookup: table[env_ids]
    return jnp.take(table, env_ids, axis=0)

if __name__ == "__main__":
    import jax
    _d = setup_inputs()
    print(jax.jit(kernel)(*tuple(_d.values())))

</pallas_src>

<mosaic_0001>
#map = affine_map<(d0, d1) -> (0, 0)>
#map1 = affine_map<(d0, d1) -> (0, 0, 0)>
module attributes {stable_mosaic.version = 14 : i64} {
  func.func @gather_kernel(%arg0: i32, %arg1: i32, %arg2: memref<50x4096xi32, #tpu.memory_space<hbm>>, %arg3: memref<1000x128xf32, #tpu.memory_space<hbm>>, %arg4: memref<50x4096x128xf32, #tpu.memory_space<hbm>>, %arg5: memref<50x128xi32, #tpu.memory_space<vmem>>, %arg6: memref<3x128x128xf32, #tpu.memory_space<vmem>>, %arg7: memref<1000x128xf32, #tpu.memory_space<vmem_shared>>, %arg8: memref<!tpu.dma_semaphore, #tpu.memory_space<semaphore_mem>>, %arg9: memref<!tpu.dma_semaphore, #tpu.memory_space<semaphore_mem>>) attributes {dimension_semantics = [#tpu.dimension_semantics<core_parallel>, #tpu.dimension_semantics<subcore_parallel>], iteration_bounds = array<i64: 2, 16>, scalar_prefetch = 0 : i64, scratch_operands = 5 : i64, tpu.core_type = #tpu.core_type<sc_vector_subcore>, window_params = [{transform_indices = #map}, {transform_indices = #map}, {transform_indices = #map1}]} {
    %mul3A = arith.constant 2 : i32
    %mul3A_0 = arith.muli %arg1, %mul3A : i32
    %add3A = arith.addi %mul3A_0, %arg0 : i32
    %mul3A_1 = arith.constant 128 : i32
    %mul3A_2 = arith.muli %add3A, %mul3A_1 : i32
    "tpu.region"() ({
      %run_scoped3A = tpu.sem_alloc : memref<!tpu.dma_semaphore, #tpu.memory_space<semaphore_mem>>
      %dma_start3A_52 = arith.constant 0 : i32
      %dma_start3A_53 = tpu.memref_slice %arg2[%dma_start3A_52, %mul3A_2] : memref<50x4096xi32, #tpu.memory_space<hbm>> -> memref<50x128xi32, #tpu.memory_space<hbm>>
      %dma_start3A_54 = arith.constant 0 : i32
      %dma_start3A_55 = tpu.memref_slice %arg2[%dma_start3A_54, %mul3A_2] : memref<50x4096xi32, #tpu.memory_space<hbm>> -> memref<50x128xi32, #tpu.memory_space<hbm>>
      tpu.enqueue_dma source(%dma_start3A_55 : memref<50x128xi32, #tpu.memory_space<hbm>>) target(%arg5 : memref<50x128xi32, #tpu.memory_space<vmem>>) target_semaphore(%run_scoped3A : memref<!tpu.dma_semaphore, #tpu.memory_space<semaphore_mem>>)
      %dma_wait3A_56 = arith.constant 0 : i32
      %dma_wait3A_57 = tpu.memref_slice %arg2[%dma_wait3A_56, %mul3A_2] : memref<50x4096xi32, #tpu.memory_space<hbm>> -> memref<50x128xi32, #tpu.memory_space<hbm>>
      %dma_wait3A_58 = arith.constant 0 : i32
      %dma_wait3A_59 = tpu.memref_slice %arg2[%dma_wait3A_58, %mul3A_2] : memref<50x4096xi32, #tpu.memory_space<hbm>> -> memref<50x128xi32, #tpu.memory_space<hbm>>
      tpu.wait_dma2 semaphore(%run_scoped3A : memref<!tpu.dma_semaphore, #tpu.memory_space<semaphore_mem>>) src(%dma_wait3A_59 : memref<50x128xi32, #tpu.memory_space<hbm>>) dst(%arg5 : memref<50x128xi32, #tpu.memory_space<vmem>>)
      tpu.yield
    }) : () -> ()
    %eq3A = arith.constant 0 : i32
    %eq3A_3 = arith.cmpi eq, %arg1, %eq3A : i32
    %convert_element_type3A = arith.extui %eq3A_3 : i1 to i32
    %cond3A = arith.constant 0 : i32
    %cond3A_4 = arith.cmpi ne, %convert_element_type3A, %cond3A : i32
    scf.if %cond3A_4 {
      "tpu.region"() ({
        %run_scoped3A = tpu.sem_alloc : memref<!tpu.dma_semaphore, #tpu.memory_space<semaphore_mem>>
        tpu.enqueue_dma source(%arg3 : memref<1000x128xf32, #tpu.memory_space<hbm>>) target(%arg7 : memref<1000x128xf32, #tpu.memory_space<vmem_shared>>) target_semaphore(%run_scoped3A : memref<!tpu.dma_semaphore, #tpu.memory_space<semaphore_mem>>)
        tpu.wait_dma2 semaphore(%run_scoped3A : memref<!tpu.dma_semaphore, #tpu.memory_space<semaphore_mem>>) src(%arg3 : memref<1000x128xf32, #tpu.memory_space<hbm>>) dst(%arg7 : memref<1000x128xf32, #tpu.memory_space<vmem_shared>>)
        tpu.yield
      }) : () -> ()
    } else {
    }
    %barrier3A = arith.constant 0 : index
    tpu.barrier barrier_id(%barrier3A)
    %dma_start3A = arith.constant 0 : i32
    %dma_start3A_5 = arith.constant 0 : i32
    %dma_start3A_6 = arith.constant 0 : i32
    %dma_start3A_7 = arith.constant 0 : i32
    %dma_start3A_8 = tpu.memref_slice %arg6[%dma_start3A_5, %dma_start3A_6, %dma_start3A_7] : memref<3x128x128xf32, #tpu.memory_space<vmem>> -> memref<1x128x128xf32, #tpu.memory_space<vmem>>
    %dma_start3A_9 = tpu.memref_squeeze %dma_start3A_8 : memref<1x128x128xf32, #tpu.memory_space<vmem>> -> memref<128x128xf32, #tpu.memory_space<vmem>>
    %dma_start3A_10 = arith.constant 0 : i32
    %dma_start3A_11 = tpu.memref_slice %arg5[%dma_start3A, %dma_start3A_10] : memref<50x128xi32, #tpu.memory_space<vmem>> -> memref<1x128xi32, #tpu.memory_space<vmem>>
    %dma_start3A_12 = tpu.memref_squeeze %dma_start3A_11 : memref<1x128xi32, #tpu.memory_space<vmem>> -> memref<128xi32, #tpu.memory_space<vmem>>
    %dma_start3A_13 = arith.constant 0 : i32
    %dma_start3A_14 = arith.constant 0 : i32
    %dma_start3A_15 = tpu.memref_slice %arg7[%dma_start3A_13, %dma_start3A_14] : memref<1000x128xf32, #tpu.memory_space<vmem_shared>> -> memref<1000x128xf32, #tpu.memory_space<vmem_shared>>
    tpu.enqueue_indirect_dma source(%dma_start3A_15 : memref<1000x128xf32, #tpu.memory_space<vmem_shared>>) target(%dma_start3A_9 : memref<128x128xf32, #tpu.memory_space<vmem>>) offsets(%dma_start3A_12 : memref<128xi32, #tpu.memory_space<vmem>>) semaphore(%arg8 : memref<!tpu.dma_semaphore, #tpu.memory_space<semaphore_mem>>)
    %scan3A = arith.constant 0 : i32
    %scan3A_16 = arith.constant 0 : i32
    %scan3A_17 = arith.constant 50 : i32
    %scan3A_18 = arith.addi %scan3A_16, %scan3A_17 : i32
    %scan3A_19 = arith.constant 1 : i32
    scf.for %scan3A_52 = %scan3A_16 to %scan3A_18 step %scan3A_19  : i32 {
      %rem3A = arith.constant 3 : i32
      %rem3A_53 = arith.remsi %scan3A_52, %rem3A : i32
      %add3A_54 = arith.constant 1 : i32
      %add3A_55 = arith.addi %scan3A_52, %add3A_54 : i32
      %rem3A_56 = arith.constant 3 : i32
      %rem3A_57 = arith.remsi %add3A_55, %rem3A_56 : i32
      %ge3A = arith.constant 2 : i32
      %ge3A_58 = arith.cmpi sge, %scan3A_52, %ge3A : i32
      %convert_element_type3A_59 = arith.extui %ge3A_58 : i1 to i32
      %cond3A_60 = arith.constant 0 : i32
      %cond3A_61 = arith.cmpi ne, %convert_element_type3A_59, %cond3A_60 : i32
      scf.if %cond3A_61 {
        %dma_wait3A_92 = arith.constant 0 : i32
        %dma_wait3A_93 = arith.constant 0 : i32
        %dma_wait3A_94 = arith.constant 0 : i32
        %dma_wait3A_95 = arith.constant 0 : i32
        %dma_wait3A_96 = tpu.memref_slice %arg6[%dma_wait3A_92, %dma_wait3A_94, %dma_wait3A_95] : memref<3x128x128xf32, #tpu.memory_space<vmem>> -> memref<1x128x128xf32, #tpu.memory_space<vmem>>
        %dma_wait3A_97 = tpu.memref_squeeze %dma_wait3A_96 : memref<1x128x128xf32, #tpu.memory_space<vmem>> -> memref<128x128xf32, #tpu.memory_space<vmem>>
        %dma_wait3A_98 = arith.constant 0 : i32
        %dma_wait3A_99 = tpu.memref_slice %arg4[%dma_wait3A_93, %mul3A_2, %dma_wait3A_98] : memref<50x4096x128xf32, #tpu.memory_space<hbm>> -> memref<1x128x128xf32, #tpu.memory_space<hbm>>
        %dma_wait3A_100 = tpu.memref_squeeze %dma_wait3A_99 : memref<1x128x128xf32, #tpu.memory_space<hbm>> -> memref<128x128xf32, #tpu.memory_space<hbm>>
        %dma_wait3A_101 = arith.constant 0 : i32
        %dma_wait3A_102 = tpu.memref_slice %arg4[%dma_wait3A_93, %mul3A_2, %dma_wait3A_101] : memref<50x4096x128xf32, #tpu.memory_space<hbm>> -> memref<1x128x128xf32, #tpu.memory_space<hbm>>
        %dma_wait3A_103 = tpu.memref_squeeze %dma_wait3A_102 : memref<1x128x128xf32, #tpu.memory_space<hbm>> -> memref<128x128xf32, #tpu.memory_space<hbm>>
        %dma_wait3A_104 = arith.constant 0 : i32
        %dma_wait3A_105 = arith.constant 0 : i32
        %dma_wait3A_106 = tpu.memref_slice %arg6[%dma_wait3A_92, %dma_wait3A_104, %dma_wait3A_105] : memref<3x128x128xf32, #tpu.memory_space<vmem>> -> memref<1x128x128xf32, #tpu.memory_space<vmem>>
        %dma_wait3A_107 = tpu.memref_squeeze %dma_wait3A_106 : memref<1x128x128xf32, #tpu.memory_space<vmem>> -> memref<128x128xf32, #tpu.memory_space<vmem>>
        tpu.wait_dma2 semaphore(%arg9 : memref<!tpu.dma_semaphore, #tpu.memory_space<semaphore_mem>>) src(%dma_wait3A_107 : memref<128x128xf32, #tpu.memory_space<vmem>>) dst(%dma_wait3A_103 : memref<128x128xf32, #tpu.memory_space<hbm>>)
      } else {
      }
      %add3A_62 = arith.constant 1 : i32
      %add3A_63 = arith.addi %scan3A_52, %add3A_62 : i32
      %lt3A = arith.constant 50 : i32
      %lt3A_64 = arith.cmpi slt, %add3A_63, %lt3A : i32
      %convert_element_type3A_65 = arith.extui %lt3A_64 : i1 to i32
      %cond3A_66 = arith.constant 0 : i32
      %cond3A_67 = arith.cmpi ne, %convert_element_type3A_65, %cond3A_66 : i32
      scf.if %cond3A_67 {
        %add3A_92 = arith.constant 1 : i32
        %add3A_93 = arith.addi %scan3A_52, %add3A_92 : i32
        %dma_start3A_94 = arith.constant 0 : i32
        %dma_start3A_95 = arith.constant 0 : i32
        %dma_start3A_96 = tpu.memref_slice %arg6[%rem3A_57, %dma_start3A_94, %dma_start3A_95] : memref<3x128x128xf32, #tpu.memory_space<vmem>> -> memref<1x128x128xf32, #tpu.memory_space<vmem>>
        %dma_start3A_97 = tpu.memref_squeeze %dma_start3A_96 : memref<1x128x128xf32, #tpu.memory_space<vmem>> -> memref<128x128xf32, #tpu.memory_space<vmem>>
        %dma_start3A_98 = arith.constant 0 : i32
        %dma_start3A_99 = tpu.memref_slice %arg5[%add3A_93, %dma_start3A_98] : memref<50x128xi32, #tpu.memory_space<vmem>> -> memref<1x128xi32, #tpu.memory_space<vmem>>
        %dma_start3A_100 = tpu.memref_squeeze %dma_start3A_99 : memref<1x128xi32, #tpu.memory_space<vmem>> -> memref<128xi32, #tpu.memory_space<vmem>>
        %dma_start3A_101 = arith.constant 0 : i32
        %dma_start3A_102 = arith.constant 0 : i32
        %dma_start3A_103 = tpu.memref_slice %arg7[%dma_start3A_101, %dma_start3A_102] : memref<1000x128xf32, #tpu.memory_space<vmem_shared>> -> memref<1000x128xf32, #tpu.memory_space<vmem_shared>>
        tpu.enqueue_indirect_dma source(%dma_start3A_103 : memref<1000x128xf32, #tpu.memory_space<vmem_shared>>) target(%dma_start3A_97 : memref<128x128xf32, #tpu.memory_space<vmem>>) offsets(%dma_start3A_100 : memref<128xi32, #tpu.memory_space<vmem>>) semaphore(%arg8 : memref<!tpu.dma_semaphore, #tpu.memory_space<semaphore_mem>>)
      } else {
      }
      %dma_wait3A_68 = arith.constant 0 : i32
      %dma_wait3A_69 = arith.constant 0 : i32
      %dma_wait3A_70 = tpu.memref_slice %arg6[%rem3A_53, %dma_wait3A_68, %dma_wait3A_69] : memref<3x128x128xf32, #tpu.memory_space<vmem>> -> memref<1x128x128xf32, #tpu.memory_space<vmem>>
      %dma_wait3A_71 = tpu.memref_squeeze %dma_wait3A_70 : memref<1x128x128xf32, #tpu.memory_space<vmem>> -> memref<128x128xf32, #tpu.memory_space<vmem>>
      %dma_wait3A_72 = arith.constant 0 : i32
      %dma_wait3A_73 = tpu.memref_slice %arg5[%scan3A_52, %dma_wait3A_72] : memref<50x128xi32, #tpu.memory_space<vmem>> -> memref<1x128xi32, #tpu.memory_space<vmem>>
      %dma_wait3A_74 = tpu.memref_squeeze %dma_wait3A_73 : memref<1x128xi32, #tpu.memory_space<vmem>> -> memref<128xi32, #tpu.memory_space<vmem>>
      %dma_wait3A_75 = arith.constant 0 : i32
      %dma_wait3A_76 = arith.constant 0 : i32
      %dma_wait3A_77 = tpu.memref_slice %arg7[%dma_wait3A_75, %dma_wait3A_76] : memref<1000x128xf32, #tpu.memory_space<vmem_shared>> -> memref<1000x128xf32, #tpu.memory_space<vmem_shared>>
      tpu.wait_indirect_dma semaphore(%arg8 : memref<!tpu.dma_semaphore, #tpu.memory_space<semaphore_mem>>) src(%dma_wait3A_77 : memref<1000x128xf32, #tpu.memory_space<vmem_shared>>) dst(%dma_wait3A_71 : memref<128x128xf32, #tpu.memory_space<vmem>>)
      %dma_start3A_78 = arith.constant 0 : i32
      %dma_start3A_79 = arith.constant 0 : i32
      %dma_start3A_80 = tpu.memref_slice %arg6[%rem3A_53, %dma_start3A_78, %dma_start3A_79] : memref<3x128x128xf32, #tpu.memory_space<vmem>> -> memref<1x128x128xf32, #tpu.memory_space<vmem>>
      %dma_start3A_81 = tpu.memref_squeeze %dma_start3A_80 : memref<1x128x128xf32, #tpu.memory_space<vmem>> -> memref<128x128xf32, #tpu.memory_space<vmem>>
      %dma_start3A_82 = arith.constant 0 : i32
      %dma_start3A_83 = tpu.memref_slice %arg4[%scan3A_52, %mul3A_2, %dma_start3A_82] : memref<50x4096x128xf32, #tpu.memory_space<hbm>> -> memref<1x128x128xf32, #tpu.memory_space<hbm>>
      %dma_start3A_84 = tpu.memref_squeeze %dma_start3A_83 : memref<1x128x128xf32, #tpu.memory_space<hbm>> -> memref<128x128xf32, #tpu.memory_space<hbm>>
      %dma_start3A_85 = arith.constant 0 : i32
      %dma_start3A_86 = tpu.memref_slice %arg4[%scan3A_52, %mul3A_2, %dma_start3A_85] : memref<50x4096x128xf32, #tpu.memory_space<hbm>> -> memref<1x128x128xf32, #tpu.memory_space<hbm>>
      %dma_start3A_87 = tpu.memref_squeeze %dma_start3A_86 : memref<1x128x128xf32, #tpu.memory_space<hbm>> -> memref<128x128xf32, #tpu.memory_space<hbm>>
      %dma_start3A_88 = arith.constant 0 : i32
      %dma_start3A_89 = arith.constant 0 : i32
      %dma_start3A_90 = tpu.memref_slice %arg6[%rem3A_53, %dma_start3A_88, %dma_start3A_89] : memref<3x128x128xf32, #tpu.memory_space<vmem>> -> memref<1x128x128xf32, #tpu.memory_space<vmem>>
      %dma_start3A_91 = tpu.memref_squeeze %dma_start3A_90 : memref<1x128x128xf32, #tpu.memory_space<vmem>> -> memref<128x128xf32, #tpu.memory_space<vmem>>
      tpu.enqueue_dma source(%dma_start3A_91 : memref<128x128xf32, #tpu.memory_space<vmem>>) target(%dma_start3A_87 : memref<128x128xf32, #tpu.memory_space<hbm>>) target_semaphore(%arg9 : memref<!tpu.dma_semaphore, #tpu.memory_space<semaphore_mem>>)
    }
    %scan3A_20 = arith.constant 50 : i32
    %dma_wait3A = arith.constant 0 : i32
    %dma_wait3A_21 = arith.constant 0 : i32
    %dma_wait3A_22 = arith.constant 0 : i32
    %dma_wait3A_23 = arith.constant 0 : i32
    %dma_wait3A_24 = tpu.memref_slice %arg6[%dma_wait3A, %dma_wait3A_22, %dma_wait3A_23] : memref<3x128x128xf32, #tpu.memory_space<vmem>> -> memref<1x128x128xf32, #tpu.memory_space<vmem>>
    %dma_wait3A_25 = tpu.memref_squeeze %dma_wait3A_24 : memref<1x128x128xf32, #tpu.memory_space<vmem>> -> memref<128x128xf32, #tpu.memory_space<vmem>>
    %dma_wait3A_26 = arith.constant 0 : i32
    %dma_wait3A_27 = tpu.memref_slice %arg4[%dma_wait3A_21, %mul3A_2, %dma_wait3A_26] : memref<50x4096x128xf32, #tpu.memory_space<hbm>> -> memref<1x128x128xf32, #tpu.memory_space<hbm>>
    %dma_wait3A_28 = tpu.memref_squeeze %dma_wait3A_27 : memref<1x128x128xf32, #tpu.memory_space<hbm>> -> memref<128x128xf32, #tpu.memory_space<hbm>>
    %dma_wait3A_29 = arith.constant 0 : i32
    %dma_wait3A_30 = tpu.memref_slice %arg4[%dma_wait3A_21, %mul3A_2, %dma_wait3A_29] : memref<50x4096x128xf32, #tpu.memory_space<hbm>> -> memref<1x128x128xf32, #tpu.memory_space<hbm>>
    %dma_wait3A_31 = tpu.memref_squeeze %dma_wait3A_30 : memref<1x128x128xf32, #tpu.memory_space<hbm>> -> memref<128x128xf32, #tpu.memory_space<hbm>>
    %dma_wait3A_32 = arith.constant 0 : i32
    %dma_wait3A_33 = arith.constant 0 : i32
    %dma_wait3A_34 = tpu.memref_slice %arg6[%dma_wait3A, %dma_wait3A_32, %dma_wait3A_33] : memref<3x128x128xf32, #tpu.memory_space<vmem>> -> memref<1x128x128xf32, #tpu.memory_space<vmem>>
    %dma_wait3A_35 = tpu.memref_squeeze %dma_wait3A_34 : memref<1x128x128xf32, #tpu.memory_space<vmem>> -> memref<128x128xf32, #tpu.memory_space<vmem>>
    tpu.wait_dma2 semaphore(%arg9 : memref<!tpu.dma_semaphore, #tpu.memory_space<semaphore_mem>>) src(%dma_wait3A_35 : memref<128x128xf32, #tpu.memory_space<vmem>>) dst(%dma_wait3A_31 : memref<128x128xf32, #tpu.memory_space<hbm>>)
    %dma_wait3A_36 = arith.constant 0 : i32
    %dma_wait3A_37 = arith.constant 0 : i32
    %dma_wait3A_38 = arith.constant 0 : i32
    %dma_wait3A_39 = arith.constant 0 : i32
    %dma_wait3A_40 = tpu.memref_slice %arg6[%dma_wait3A_36, %dma_wait3A_38, %dma_wait3A_39] : memref<3x128x128xf32, #tpu.memory_space<vmem>> -> memref<1x128x128xf32, #tpu.memory_space<vmem>>
    %dma_wait3A_41 = tpu.memref_squeeze %dma_wait3A_40 : memref<1x128x128xf32, #tpu.memory_space<vmem>> -> memref<128x128xf32, #tpu.memory_space<vmem>>
    %dma_wait3A_42 = arith.constant 0 : i32
    %dma_wait3A_43 = tpu.memref_slice %arg4[%dma_wait3A_37, %mul3A_2, %dma_wait3A_42] : memref<50x4096x128xf32, #tpu.memory_space<hbm>> -> memref<1x128x128xf32, #tpu.memory_space<hbm>>
    %dma_wait3A_44 = tpu.memref_squeeze %dma_wait3A_43 : memref<1x128x128xf32, #tpu.memory_space<hbm>> -> memref<128x128xf32, #tpu.memory_space<hbm>>
    %dma_wait3A_45 = arith.constant 0 : i32
    %dma_wait3A_46 = tpu.memref_slice %arg4[%dma_wait3A_37, %mul3A_2, %dma_wait3A_45] : memref<50x4096x128xf32, #tpu.memory_space<hbm>> -> memref<1x128x128xf32, #tpu.memory_space<hbm>>
    %dma_wait3A_47 = tpu.memref_squeeze %dma_wait3A_46 : memref<1x128x128xf32, #tpu.memory_space<hbm>> -> memref<128x128xf32, #tpu.memory_space<hbm>>
    %dma_wait3A_48 = arith.constant 0 : i32
    %dma_wait3A_49 = arith.constant 0 : i32
    %dma_wait3A_50 = tpu.memref_slice %arg6[%dma_wait3A_36, %dma_wait3A_48, %dma_wait3A_49] : memref<3x128x128xf32, #tpu.memory_space<vmem>> -> memref<1x128x128xf32, #tpu.memory_space<vmem>>
    %dma_wait3A_51 = tpu.memref_squeeze %dma_wait3A_50 : memref<1x128x128xf32, #tpu.memory_space<vmem>> -> memref<128x128xf32, #tpu.memory_space<vmem>>
    tpu.wait_dma2 semaphore(%arg9 : memref<!tpu.dma_semaphore, #tpu.memory_space<semaphore_mem>>) src(%dma_wait3A_51 : memref<128x128xf32, #tpu.memory_space<vmem>>) dst(%dma_wait3A_47 : memref<128x128xf32, #tpu.memory_space<hbm>>)
    return
  }
}

</mosaic_0001>

<sc_bundles>
// kernel: kernel.3.cloned.1.call-start
scs
__scs_entry_jumppad:
0x0: {  	(pc) =	sbr.rel $0x88, $3  }
0x1: {  	(tag) =	ssettag $0x0;
	lr =	simm.s32 $0x1  }
0x2: {  	[smem:$0x3F9F] =	sst lr;
	_ =	strace $0xD0000000  }
0x3: {  	_ = 	snop  }
0x4: {  	_ = 	snop  }
0x5: {  	_ = 	snop  }
0x6: {  	_ = 	snop  }
0x7: {  	_ = 	snop  }
__scs_overlays_trampoline_lowered:
0x8: {  	[smem:$0x3FAE] =	sst s0  }
0x9: {  	[smem:$0x3FAF] =	sst s1  }
0xa: {  	[smem:$0x3FB0] =	sst s2  }
0xb: {  	[smem:$0x3FB1] =	sst s3  }
0xc: {  	[smem:$0x3FB2] =	sst s4  }
0xd: {  	[smem:$0x3FB3] =	sst s5  }
0xe: {  	[smem:$0x3FB4] =	sst s6  }
0xf: {  	[smem:$0x3FB5] =	sst s7  }
0x10: {  	[smem:$0x3FB6] =	sst s8  }
0x11: {  	[smem:$0x3FB7] =	sst s9;
	s0 =	simm.s32 @!p0 $0x0  }
0x12: {  	s1 =	sld [smem:$0x3F9D];
	s0 =	simm.s32 @p0 $0x1  }
0x13: {  	[smem:$0x3FB8] =	sst s0;
	s0 =	simm.s32 @!p1 $0x0  }
0x14: {  	s2 =	sld [smem:$0x3F9C];
	s0 =	simm.s32 @p1 $0x1  }
0x15: {  	[smem:$0x3FB9] =	sst s0;
	s0 =	simm.s32 @!p2 $0x0  }
0x16: {  	s3 =	sld [smem:$0x3FDB];
	s0 =	simm.s32 @p2 $0x1  }
0x17: {  	s4 =	simm.s32 $0x1BF5;
	[smem:$0x3FBB] =	sst s0  }
0x18: {  	s0 =	sld [smem:$0x3F9E];
	_ =	swait.ge [sflag:s4], $0x0  }
0x19: {  	s7 =	sld [smem:$0x3F9F]  }
0x1a: {  	s8 =	sadd.s32 $0xFFFFE003, lr  }
0x1b: {  	s9 =	sadd.s32 $0xFFFFFEF7, lr;
	s5 =	simm.s32 $0xFFFFFFFF;
	p2 =	slt.u32 s8, $0xFFFFF086  }
0x1c: {  	p1 =	slt.u32 s9, $0xF7A;
	s5 =	simm.s32 @!p2 $0x0  }
0x1d: {  	s5 =	simm.s32 @p1 $0x1;
	p0 =	seq.s32 s7, s2  }
0x1e: {  	s7 =	smul.u32 @!p0 $0xF7A, s2;
	p2 =	seq.s32 @!p0 s5, $0x0  }
0x1f: {  	s9 =	smul.u32 $0xF7A, s1;
	s8 =	simm.s32 @!p0 $0x1BF5;
	p2 =	por !p2, p0  }
0x20: {  	[sflag:s8] =	ssyncset.s32 @!p0 $0xFFFFF086;
	s6 =	sadd.s32 @!p0 s3, s7;
	s7 =	simm.s32 @!p0 $0x108  }
0x21: {  	s3 =	sadd.s32 s3, s9;
	s6 =	sadd.s32 @!p0 $0x88, s6;
	s7 =	simm.s32 @p2 $0x1082  }
0x22: {  	[simem:s7], [sflag:s8] =	dma.local @!p0 [hbm:s6], $0xF7A  }
0x23: {  	s9 =	sor.u32 $0xD0000000, s2;
	s6 =	simm.s32 $0x108;
	_ =	swait.ge @!p0 [sflag:s8], $0x0  }
0x24: {  	s3 =	sadd.s32 $0x88, s3;
	s6 =	simm.s32 @!p1 $0x1082;
	[sflag:s4] =	ssyncset.s32 $0xFFFFF086  }
0x25: {  	[simem:s6], [sflag:s4] =	dma.local [hbm:s3], $0xF7A  }
0x26: {  	[smem:$0x3F9F] =	sst s1;
	(tag) =	ssettag s2;
	_ =	strace s9  }
0x27: {  	s1 =	sld [smem:$0x3FAF]  }
0x28: {  	s2 =	sld [smem:$0x3FB0]  }
0x29: {  	s4 =	sld [smem:$0x3FB2]  }
0x2a: {  	p0 =	seq.s32 s5, $0x0;
	s5 =	sld [smem:$0x3FB3]  }
0x2b: {  	s6 =	sld [smem:$0x3FB4]  }
0x2c: {  	s7 =	sld [smem:$0x3FB5]  }
0x2d: {  	s3 =	simm.s32 $0x108;
	s8 =	sld [smem:$0x3FB6]  }
0x2e: {  	s3 =	simm.s32 @!p0 $0x1082;
	s9 =	sld [smem:$0x3FB7]  }
0x2f: {  	lr =	sadd.s32 s0, s3;
	s0 =	sld [smem:$0x3FAE]  }
0x30: {  	s3 =	sld [smem:$0x3FB1]  }
0x31: {  	[smem:$0x3FBA] =	sst s10  }
0x32: {  	s10 =	sld [smem:$0x3FB8];
	_ =	sdelay $0x3  }
0x33: {  	p0 =	seq.s32 s10, $0x1;
	s10 =	sld [smem:$0x3FBA];
	_ =	sdelay $0x3  }
0x34: {  	[smem:$0x3FBA] =	sst s10  }
0x35: {  	s10 =	sld [smem:$0x3FB9];
	_ =	sdelay $0x3  }
0x36: {  	p1 =	seq.s32 s10, $0x1;
	s10 =	sld [smem:$0x3FBA];
	_ =	sdelay $0x3  }
0x37: {  	[smem:$0x3FBA] =	sst s10  }
0x38: {  	s10 =	sld [smem:$0x3FBB]  }
0x39: {  	_ = 	snop;
	(pc) =	sbr.ind lr, $3  }
0x3a: {  	_ = 	snop  }
0x3b: {  	_ = 	snop  }
0x3c: {  	p2 =	seq.s32 s10, $0x1;
	s10 =	sld [smem:$0x3FBA]  }
0x3d: {  	_ =	shalt  }
0x3e: {  	_ =	shalt  }
0x3f: {  	_ =	shalt  }
0x40: {  	_ =	shalt  }
0x41: {  	_ =	shalt  }
0x42: {  	_ =	shalt  }
0x43: {  	_ =	shalt  }
0x44: {  	_ =	shalt  }
0x45: {  	_ =	shalt  }
0x46: {  	_ =	shalt  }
0x47: {  	_ =	shalt  }
0x48: {  	_ =	shalt  }
0x49: {  	_ =	shalt  }
0x4a: {  	_ =	shalt  }
0x4b: {  	_ =	shalt  }
0x4c: {  	_ =	shalt  }
0x4d: {  	_ =	shalt  }
0x4e: {  	_ =	shalt  }
0x4f: {  	_ =	shalt  }
0x50: {  	_ =	shalt  }
0x51: {  	_ =	shalt  }
0x52: {  	_ =	shalt  }
0x53: {  	_ =	shalt  }
0x54: {  	_ =	shalt  }
0x55: {  	_ =	shalt  }
0x56: {  	_ =	shalt  }
0x57: {  	_ =	shalt  }
0x58: {  	_ =	shalt  }
0x59: {  	_ =	shalt  }
0x5a: {  	_ =	shalt  }
0x5b: {  	_ =	shalt  }
0x5c: {  	_ =	shalt  }
0x5d: {  	_ =	shalt  }
0x5e: {  	_ =	shalt  }
0x5f: {  	_ =	shalt  }
0x60: {  	_ =	shalt  }
0x61: {  	_ =	shalt  }
0x62: {  	_ =	shalt  }
0x63: {  	_ =	shalt  }
0x64: {  	_ =	shalt  }
0x65: {  	_ =	shalt  }
0x66: {  	_ =	shalt  }
0x67: {  	_ =	shalt  }
0x68: {  	_ =	shalt  }
0x69: {  	_ =	shalt  }
0x6a: {  	_ =	shalt  }
0x6b: {  	_ =	shalt  }
0x6c: {  	_ =	shalt  }
0x6d: {  	_ =	shalt  }
0x6e: {  	_ =	shalt  }
0x6f: {  	_ =	shalt  }
0x70: {  	_ =	shalt  }
0x71: {  	_ =	shalt  }
0x72: {  	_ =	shalt  }
0x73: {  	_ =	shalt  }
0x74: {  	_ =	shalt  }
0x75: {  	_ =	shalt  }
0x76: {  	_ =	shalt  }
0x77: {  	_ =	shalt  }
0x78: {  	_ =	shalt  }
0x79: {  	_ =	shalt  }
0x7a: {  	_ =	shalt  }
0x7b: {  	_ =	shalt  }
0x7c: {  	_ =	shalt  }
0x7d: {  	_ =	shalt  }
0x7e: {  	_ =	shalt  }
0x7f: {  	_ =	shalt  }
0x80: {  	_ =	shalt  }
0x81: {  	_ =	shalt  }
0x82: {  	_ =	shalt  }
0x83: {  	_ =	shalt  }
0x84: {  	_ =	shalt  }
0x85: {  	_ =	shalt  }
0x86: {  	_ =	shalt  }
0x87: {  	_ =	shalt  }
.Lfunc_end0:
.L_simem_size_0:
called_computation_lowered:
.L_overlay_start_0:
0x88: {  	s2 =	sld [smem:$0x3FD9]  }
0x89: {  	s3 =	sld [smem:$0x3FFE];
	_ =	sdelay $0x1  }
0x8a: {  	s1 =	srdreg.scid  }
0x8b: {  	s0 =	sand.u32 $0x1, s1  }
0x8c: {  	s18 =	sshll.u32 s0, $0xA;
	s2 =	sadd.s32 s3, s2  }
0x8d: {  	s2 =	sadd.s32 s2, s18  }
0x8e: {  	[smem:$0x3FC6] =	sst s2  }
0x8f: {  	_ = 	snop  }
0x90: {  	s2 =	sld [smem:$0x3FC9]  }
0x91: {  	s19 =	sld [smem:$0x3FC8]  }
0x92: {  	s4 =	sld [smem:$0x3FD0];
	(tm) =	ssettm $0x1  }
0x93: {  	s5 =	sld [smem:$0x3FFB];
	_ =	sdelay $0x3  }
0x94: {  	_ =	strace s5  }
0x95: {  	s5 =	sld [smem:$0x3FFC];
	_ =	sdelay $0x3  }
0x96: {  	_ =	strace s5  }
0x97: {  	s5 =	sld [smem:$0x3FFD];
	_ =	sdelay $0x3  }
0x98: {  	_ =	strace s5  }
0x99: {  	_ =	strace $0x8FFFFFFF  }
0x9a: {  	s20 =	sld [smem:$0x3FDB];
	_ =	sdelay $0x1  }
0x9b: {  	s6 =	simm.s32 $_scs_section_size  }
0x9c: {  	s7 =	simm.s32 $_size__tile_overlayer_lowered;
	s8 =	simm.s32 $_tile_overlayer_lowered  }
0x9d: {  	s23 =	simm.s32 $0x1BFF;
	s22 =	sshll.u32 s8, $0x1;
	s5 =	sadd.s32 s6, s20  }
0x9e: {  	s9 =	simm.s32 $0x0;
	s21 =	sshll.u32 s7, $0x1;
	s7 =	sadd.s32 s22, s5  }
0x9f: {  	[timem:s9], [sflag:s23] =	dma.local [hbm:s7], s21  }
0xa0: {  	_ =	swait.ge [sflag:s23], s21  }
0xa1: {  	s6 =	ssub.s32 $0x0, s21;
	[sflag:s23] =	ssyncset.done $0x0  }
0xa2: {  	[sflag:s23] =	ssyncadd.s32 s6;
	_ =	sdelay $0x1  }
0xa3: {  	s24 =	simm.s32 $0x1B8B  }
0xa4: {  	_ =	swait.ge [sflag:s24], $0x1  }
0xa5: {  	[sflag:s24] =	ssyncset.done $0x0  }
0xa6: {  	s25 =	simm.s32 $0x1B8E;
	[sflag:s24] =	ssyncadd.s32 $0xFFFFFFFF  }
0xa7: {  	s26 =	simm.s32 $execute0_lowered;
	[smem:$0x3FD2] =	sst s25  }
0xa8: {  	s6 =	sshll.u32 s26, $0x1;
	_ =	strace $0x80000046;
	[dreg:$0x1] =	wrdreg $0xFFFFFFFF  }
0xa9: {  	s28 =	simm.s32 $_size_execute0_lowered;
	s5 =	sadd.s32 s5, s6;
	[dreg:$0x0] =	wrdreg $0x0  }
0xaa: {  	s6 =	sshll.u32 s28, $0x1;
	[dreg:$0x2] =	wrdreg s5  }
0xab: {  	[dreg:$0x3] =	wrdreg s6  }
0xac: {  	[dreg:$0x4] =	wrdreg $0xC0  }
0xad: {  	_ =	task [dreg:s9], $0x5FFFF  }
0xae: {  	[dreg:$0x1] =	wrdreg $0xFFFFFFFF  }
0xaf: {  	[dreg:$0x0] =	wrdreg $0x60  }
0xb0: {  	[dreg:$0x2] =	wrdreg s2  }
0xb1: {  	[dreg:$0x3] =	wrdreg s19  }
0xb2: {  	[dreg:$0x4] =	wrdreg s4  }
0xb3: {  	[dreg:$0x5] =	wrdreg $0xDC000  }
0xb4: {  	[dreg:$0x6] =	wrdreg $0x9  }
0xb5: {  	_ =	task.clear_ibuf [dreg:s9], $0x7FFFF;
	_ =	strace $0x90000046  }
0xb6: {  	s29 =	simm.s32 $0x9;
	_ =	strace $0x80000048  }
0xb7: {  	_ =	swait.ge [sflag:s29], $0x1  }
0xb8: {  	[sflag:s29] =	ssyncadd.s32 $0xFFFFFFFF  }
0xb9: {  	_ =	strace $0x90000048  }
0xba: {  	_ =	sfence  }
0xbb: {  	s30 =	sld [smem:$0x0];
	_ =	sdelay $0x2  }
0xbc: {  	s31 =	sshll.u32 s1, $0xD;
	s1 =	sshrl.u32 s1, $0x2  }
0xbd: {  	s3 =	sand.u32 $0x4000, s31;
	s1 =	sadd.s32 s1, s30  }
0xbe: {  	s0 =	sor.u32 s3, s0;
	s1 =	sshll.u32 s1, $0x11  }
0xbf: {  	s0 =	sor.u32 s1, s0  }
0xc0: {  	s0 =	sadd.s32 $0x8F2B, s0  }
0xc1: {  	[sflag:s0] =	ssyncadd.remote.s32 $0x1  }
0xc2: {  	_ =	sfence.sel $0xFFFF  }
0xc3: {  	[dreg:$0x0] =	wrdreg $0xFFFFFFFF;
	(pc) =	sbr.abs _section_cstart, $3  }
0xc4: {  	[dreg:$0x1] =	wrdreg $0xFFFFFFFF  }
0xc5: {  	_ =	task.clear_ibuf [dreg:s9], $0x2FFFF;
	_ =	strace $0x9FFFFFFF  }
0xc6: {  	(tm) =	ssettm $0x7FFFFFFF  }
0xc7: {  	_ =	shalt  }
tec
execute0_lowered:
.L_overlay_start_1:
0x0: {  	(tag) =	ssettag $0x1  }
0x1: {  	s4 =	rddreg [dreg:$0x0]  }
0x2: {  	s1 =	rddreg [dreg:$0x1]  }
0x3: {  	s7 =	rddreg [dreg:$0x2]  }
0x4: {  	s2 =	rddreg [dreg:$0x3];
	s3 =	srdreg.scid  }
0x5: {  	s0 =	rddreg [dreg:$0x4];
	s8 =	stileid.u32;
	s11 =	simm.s32 $0x3  }
0x6: {  	s13 =	simm.s32 $0x1C00;
	s14 =	simm.s32 $0x1;
	s15 =	simm.s32 $0x2  }
0x7: {  	s16 =	simm.s32 $0x80;
	s17 =	simm.s32 $0x0;
	s9 =	sand.u32 $0x1, s3  }
0x8: {  	s3 =	simm.s32 $0x0;
	s5 =	sshll.u32 s8, $0x8;
	s31 =	sshll.u32 s8, $0xC  }
0x9: {  	p0 =	sne.s32 s8, $0x0;
	s8 =	simm.s32 $0x400;
	s6 =	sshll.u32 s9, $0x7  }
0xa: {  	[smem:$0x7FF] =	sst s3;
	s10 =	ssub.s32 $0x2, s9;
	s7 =	sadd.s32 s31, s7  }
0xb: {  	s9 =	sshll.u32 s9, $0xB;
	s12 =	sshrl.u32 @!p0 s2, $0x3;
	s5 =	sor.u32 s6, s5  }
0xc: {  	_ =	strace $0x80000047;
	s30 =	sshrl.u32 s10, $0x1;
	s7 =	sadd.s32 s9, s7  }
0xd: {  	s9 =	simm.s32 $0x8000;
	s4 =	sadd.s32 s4, s5;
	s6 =	ssub.s32 s10, s30  }
0xe: {  	s10 =	simm.s32 $0x1800;
	s5 =	sadd.s32 $0x6000, s4;
	s6 =	smax.u32 s6, $0x1  }
.LBB2_1:
0xf: {  	[tilespmem:s3], [sflag:$0x3] =	stream.strided.gather [hbm4b:s4+s8], $0x1800, s9, s8, $0x38;
	[tilespmem:$0xFB40] =	vst v63  }
0x10: {  	_ = 	snop  }
0x11: {  	[tilespmem:s10], [sflag:$0x3] =	stream.linear.gather [hbm4b:s5+s3], $0x100, $0x38;
	[tilespmem:$0xFB40] =	vst v63  }
0x12: {  	_ =	swait.ge [sflag:s11], $0x1900  }
0x13: {  	[sflag:s11] =	ssyncset.done $0x0  }
0x14: {  	s18 =	simm.s32 @!p0 $0x1C03;
	[sflag:s11] =	ssyncadd.s32 $0xFFFFE700  }
0x15: {  	[spmem:s12], [sflag:s18] =	dma.local @!p0 [hbm:s1], $0x3E80  }
0x16: {  	s18 =	simm.s32 @!p0 $0x3  }
0x17: {  	_ =	swait.ge @!p0 [sflag:s18], $0x3E80  }
0x18: {  	[sflag:s18] =	ssyncset.done @!p0 $0x0  }
0x19: {  	s19 =	smov.u32 s7;
	[sflag:s18] =	ssyncadd.s32 @!p0 $0xFFFFC180  }
0x1a: {  	s20 =	simm.s32 $0x0;
	s18 =	simm.s32 $0x80;
	[bflag:$0x0] =	sbarrier.arrive $0xFFFF  }
0x1b: {  	[tilespmem:s13], [sflag:$0x1] =	stream.indirect.gather [spmem:s2], $0x80, s3, s16, $0xb8;
	[tilespmem:$0xFB40] =	vst v63  }
.LBB2_2:
0x1c: {  	p1 =	slt.u32 s20, $0x2  }
0x1d: {  	s23 =	simm.s32 @!p1 $0x2  }
0x1e: {  	s22 =	smul.u32 $0xAB, s20;
	p2 =	seq.s32 @!p1 s20, $0x31;
	_ =	swait.ge @!p1 [sflag:s23], $0x4000  }
0x1f: {  	p2 =	por p1, !p2;
	[sflag:s23] =	ssyncset.done @!p1 $0x0  }
0x20: {  	[sflag:s23] =	ssyncadd.s32 @!p1 $0xFFFFC000;
	s23 =	sadd.s32 @p2 $0xAB, s22  }
0x21: {  	s23 =	sshrl.u32 @p2 s23, $0x9  }
0x22: {  	s23 =	sand.u32 @p2 $0x7F, s23  }
0x23: {  	s23 =	smul.u32 @p2 $0x3, s23  }
0x24: {  	s21 =	sadd.s32 $0x1, s20;
	s22 =	sshrl.u32 s22, $0x9  }
0x25: {  	s22 =	sand.u32 $0x7F, s22;
	s23 =	ssub.s32 @p2 s21, s23  }
0x26: {  	s22 =	smul.u32 $0x3, s22;
	s23 =	sand.u32 @p2 $0xFF, s23  }
0x27: {  	s23 =	sshll.u32 @p2 s23, $0xE  }
0x28: {  	p1 =	sne.s32 s21, $0x32;
	s31 =	ssub.s32 s20, s22;
	s23 =	sor.u32 @p2 $0x1C00, s23  }
0x29: {  	[tilespmem:s23], [sflag:$0x1] =	stream.indirect.gather @p2 [spmem:s2], $0x80, s18, s16, $0xb8;
	[tilespmem:$0xFB40] =	vst v63  }
.Ltmp0:
0x2a: {  	s20 =	sand.u32 $0xFF, s31;
	_ =	swait.ge [sflag:s14], $0x4000;
	(pc) =	sbr.rel @p1 .LBB2_2-.Ltmp0, $4  }
0x2b: {  	s20 =	sshll.u32 s20, $0xE;
	[sflag:s14] =	ssyncset.done $0x0  }
0x2c: {  	s20 =	sor.u32 $0x1C00, s20;
	[sflag:s14] =	ssyncadd.s32 $0xFFFFC000  }
0x2d: {  	[hbm4b:s19+s3] =	stream.linear.scatter [tilespmem:s20], [sflag:$0x2], $0x4000, $0x38;
	[tilespmem:$0xFB40] =	vst v63  }
0x2e: {  	s18 =	sadd.s32 $0x80, s18;
	s19 =	sadd.s32 $0x10000, s19;
	s20 =	smov.u32 s21  }
0x2f: {  	s17 =	sadd.s32 $0x1, s17  }
0x30: {  	_ =	swait.ge [sflag:s15], $0x4000;
	p1 =	sne.s32 s17, s6  }
.Ltmp1:
0x31: {  	[sflag:s15] =	ssyncset.done $0x0;
	(pc) =	sbr.rel @p1 .LBB2_1-.Ltmp1, $4  }
0x32: {  	[sflag:s15] =	ssyncadd.s32 $0xFFFFC000  }
0x33: {  	_ =	swait.ge [sflag:s15], $0x4000  }
0x34: {  	[sflag:s15] =	ssyncset.done $0x0  }
0x35: {  	[sflag:s15] =	ssyncadd.s32 $0xFFFFC000  }
0x36: {  	_ =	sfence.sel $0x180000  }
0x37: {  	[bflag:$0x0] =	sbarrier.arrive $0xFFFF  }
0x38: {  	_ =	strace $0x90000047  }
0x39: {  	s0 =	sadd.s32 @!p0 $0x100000, s0;
	[bflag:$0x2] =	sbarrier.arrive $0xFFFF  }
0x3a: {  	[sflag:s0] =	ssyncadd.tile.s32 @!p0 $0x1;
	_ =	shalt  }
.Lfunc_end2:
_tile_overlayer_lowered:
.L_overlay_start_2:
0x3b: {  	(tag) =	ssettag $0x2  }
0x3c: {  	s0 =	rddreg [dreg:$0x0];
	s2 =	stileid.u32  }
0x3d: {  	s1 =	rddreg [dreg:$0x1];
	p0 =	sne.s32 s2, $0x0  }
0x3e: {  	s3 =	rddreg [dreg:$0x2];
	[bflag:$0x3] =	sbarrier.arrive $0xFFFF;
	s2 =	simm.s32 @!p0 $0x1C03  }
0x3f: {  	[timem:s3], [sflag:s2] =	dma.local @!p0 [hbm:s0], s1  }
0x40: {  	s0 =	simm.s32 @!p0 $0x3  }
0x41: {  	_ =	swait.ge @!p0 [sflag:s0], s1  }
0x42: {  	s1 =	ssub.s32 @!p0 $0x0, s1;
	[sflag:s0] =	ssyncset.done @!p0 $0x0  }
0x43: {  	[sflag:s0] =	ssyncadd.s32 @!p0 s1  }
0x44: {  	[bflag:$0x3] =	sbarrier.arrive $0xFFFF  }
0x45: {  	_ =	shalt  }

</sc_bundles>
